<compile_context>
chip_gen: v7x
topology: tpu7x:2x2x1
jax: 0.10.2.dev20260603
libtpu: 0.0.44.dev20260713+nightly
codegen_flags: <defaults>
</compile_context>

<pallas_src>
import functools

import jax
import jax.numpy as jnp
from jax import lax
from jax.experimental import pallas as pl
from jax.experimental.pallas import tpu as pltpu
from jax.experimental.pallas import tpu_sc as plsc

_NC = 2
_NS = 16
_NW = _NC * _NS
_L = 16


def _make_kernel(S, B, V, E):
    assert B % _NW == 0
    nb = B // _NW
    assert E % _L == 0
    ne = E // _L
    chunks = []
    off = 0
    while off < S:
        n = min(128, S - off)
        assert n % 8 == 0 and off % 8 == 0
        chunks.append((off, n))
        off += n

    mesh = plsc.VectorSubcoreMesh(core_axis_name="c", subcore_axis_name="s")

    @functools.partial(
        pl.kernel,
        out_type=jax.ShapeDtypeStruct((B, E, S), jnp.float32),
        mesh=mesh,
        scratch_types=[
            pltpu.VMEM((S,), jnp.int32),
            pltpu.VMEM((S, E), jnp.float32),
            pltpu.VMEM((E, S), jnp.float32),
            pltpu.SemaphoreType.DMA,
        ],
        compiler_params=pltpu.CompilerParams(
            use_tc_tiling_on_sc=False, needs_layout_passes=False
        ),
    )
    def k(tok_hbm, table_hbm, out_hbm, idx_v, rows_v, tv, sem):
        wid = lax.axis_index("s") * _NC + lax.axis_index("c")
        iota = lax.iota(jnp.int32, _L)

        def per_batch(bi, carry):
            b = bi * _NW + wid
            pltpu.sync_copy(tok_hbm.at[b], idx_v)
            copies = [
                pltpu.make_async_copy(
                    table_hbm.at[idx_v.at[pl.ds(off, n)]],
                    rows_v.at[pl.ds(off, n)],
                    sem,
                )
                for off, n in chunks
            ]
            for cp in copies:
                cp.start()
            for cp in copies:
                cp.wait()

            def per_s(si, c2):
                svec = jnp.full((_L,), si, jnp.int32)
                for e0 in range(ne):
                    vals = rows_v[si, pl.ds(e0 * _L, _L)]
                    plsc.store_scatter(tv, [e0 * _L + iota, svec], vals)
                return c2

            lax.fori_loop(0, S, per_s, 0, unroll=False)
            pltpu.sync_copy(tv, out_hbm.at[b])
            return carry

        lax.fori_loop(0, nb, per_batch, 0, unroll=False)

    return k


def kernel(tokens, table):
    S, B = tokens.shape
    V, E = table.shape
    tok_t = jnp.transpose(tokens).astype(jnp.int32)
    k = _make_kernel(S, B, V, E)
    return k(tok_t, table)

# --- scband reference (transcript-rebuilt; emitter-appended) ---
"""Pipeline reference for scband-bag-of-words-encoder-31671088841257 (READ-ONLY COPY).

The authoritative reference and input builder live on the scoring server;
editing this copy changes nothing except your own understanding.
"""

import jax, jax.numpy as jnp
import numpy as np

VOCAB = 100000
EMBED_DIM = 128
SEQ_LEN = 200
BATCH = 4096

def setup_inputs(seed: int = 0) -> dict:
    key = jax.random.key(seed)
    k1, k2 = jax.random.split(key)
    tokens = jax.random.randint(k1, (SEQ_LEN, BATCH), 0, VOCAB, dtype=jnp.int64 if jax.config.jax_enable_x64 else jnp.int32)
    table = jax.random.normal(k2, (VOCAB, EMBED_DIM), dtype=jnp.float32)
    return {"tokens": tokens, "table": table}

def reference(tokens, table):
    # nn.Embedding lookup: [S, B] -> [S, B, E]
    embedded = jnp.take(table, tokens, axis=0)
    # dropout is identity at inference time
    # permute(1, 2, 0): [S, B, E] -> [B, E, S]
    return jnp.transpose(embedded, (1, 2, 0))

if __name__ == "__main__":
    import jax
    _d = setup_inputs()
    print(jax.jit(kernel)(*tuple(_d.values())))

</pallas_src>

<mosaic_0001>
#map = affine_map<(d0, d1) -> (0, 0)>
#map1 = affine_map<(d0, d1) -> (0, 0, 0)>
module attributes {stable_mosaic.version = 14 : i64} {
  func.func @k(%arg0: i32, %arg1: i32, %arg2: memref<4096x200xi32, #tpu.memory_space<hbm>>, %arg3: memref<100000x128xf32, #tpu.memory_space<hbm>>, %arg4: memref<4096x128x200xf32, #tpu.memory_space<hbm>>, %arg5: memref<200xi32, #tpu.memory_space<vmem>>, %arg6: memref<200x128xf32, #tpu.memory_space<vmem>>, %arg7: memref<128x200xf32, #tpu.memory_space<vmem>>, %arg8: memref<!tpu.dma_semaphore, #tpu.memory_space<semaphore_mem>>) attributes {dimension_semantics = [#tpu.dimension_semantics<core_parallel>, #tpu.dimension_semantics<subcore_parallel>], iteration_bounds = array<i64: 2, 16>, scalar_prefetch = 0 : i64, scratch_operands = 4 : i64, tpu.core_type = #tpu.core_type<sc_vector_subcore>, window_params = [{transform_indices = #map}, {transform_indices = #map}, {transform_indices = #map1}]} {
    %mul3A = arith.constant 2 : i32
    %mul3A_0 = arith.muli %arg1, %mul3A : i32
    %add3A = arith.addi %mul3A_0, %arg0 : i32
    %iota3A = tpu.iota {dimensions = array<i32: 0>} : vector<16xi32>
    %scan3A = arith.constant 0 : i32
    %scan3A_1 = arith.constant 0 : i32
    %scan3A_2 = arith.constant 128 : i32
    %scan3A_3 = arith.addi %scan3A_1, %scan3A_2 : i32
    %scan3A_4 = arith.constant 1 : i32
    scf.for %scan3A_6 = %scan3A_1 to %scan3A_3 step %scan3A_4  : i32 {
      %mul3A_7 = arith.constant 32 : i32
      %mul3A_8 = arith.muli %scan3A_6, %mul3A_7 : i32
      %add3A_9 = arith.addi %mul3A_8, %add3A : i32
      "tpu.region"() ({
        %run_scoped3A = tpu.sem_alloc : memref<!tpu.dma_semaphore, #tpu.memory_space<semaphore_mem>>
        %dma_start3A_46 = arith.constant 0 : i32
        %dma_start3A_47 = tpu.memref_slice %arg2[%add3A_9, %dma_start3A_46] : memref<4096x200xi32, #tpu.memory_space<hbm>> -> memref<1x200xi32, #tpu.memory_space<hbm>>
        %dma_start3A_48 = tpu.memref_squeeze %dma_start3A_47 : memref<1x200xi32, #tpu.memory_space<hbm>> -> memref<200xi32, #tpu.memory_space<hbm>>
        %dma_start3A_49 = arith.constant 0 : i32
        %dma_start3A_50 = tpu.memref_slice %arg2[%add3A_9, %dma_start3A_49] : memref<4096x200xi32, #tpu.memory_space<hbm>> -> memref<1x200xi32, #tpu.memory_space<hbm>>
        %dma_start3A_51 = tpu.memref_squeeze %dma_start3A_50 : memref<1x200xi32, #tpu.memory_space<hbm>> -> memref<200xi32, #tpu.memory_space<hbm>>
        tpu.enqueue_dma source(%dma_start3A_51 : memref<200xi32, #tpu.memory_space<hbm>>) target(%arg5 : memref<200xi32, #tpu.memory_space<vmem>>) target_semaphore(%run_scoped3A : memref<!tpu.dma_semaphore, #tpu.memory_space<semaphore_mem>>)
        %dma_wait3A_52 = arith.constant 0 : i32
        %dma_wait3A_53 = tpu.memref_slice %arg2[%add3A_9, %dma_wait3A_52] : memref<4096x200xi32, #tpu.memory_space<hbm>> -> memref<1x200xi32, #tpu.memory_space<hbm>>
        %dma_wait3A_54 = tpu.memref_squeeze %dma_wait3A_53 : memref<1x200xi32, #tpu.memory_space<hbm>> -> memref<200xi32, #tpu.memory_space<hbm>>
        %dma_wait3A_55 = arith.constant 0 : i32
        %dma_wait3A_56 = tpu.memref_slice %arg2[%add3A_9, %dma_wait3A_55] : memref<4096x200xi32, #tpu.memory_space<hbm>> -> memref<1x200xi32, #tpu.memory_space<hbm>>
        %dma_wait3A_57 = tpu.memref_squeeze %dma_wait3A_56 : memref<1x200xi32, #tpu.memory_space<hbm>> -> memref<200xi32, #tpu.memory_space<hbm>>
        tpu.wait_dma2 semaphore(%run_scoped3A : memref<!tpu.dma_semaphore, #tpu.memory_space<semaphore_mem>>) src(%dma_wait3A_57 : memref<200xi32, #tpu.memory_space<hbm>>) dst(%arg5 : memref<200xi32, #tpu.memory_space<vmem>>)
        tpu.yield
      }) : () -> ()
      %dma_start3A = arith.constant 0 : i32
      %dma_start3A_10 = arith.constant 0 : i32
      %dma_start3A_11 = tpu.memref_slice %arg6[%dma_start3A, %dma_start3A_10] : memref<200x128xf32, #tpu.memory_space<vmem>> -> memref<128x128xf32, #tpu.memory_space<vmem>>
      %dma_start3A_12 = arith.constant 0 : i32
      %dma_start3A_13 = tpu.memref_slice %arg5[%dma_start3A_12] : memref<200xi32, #tpu.memory_space<vmem>> -> memref<128xi32, #tpu.memory_space<vmem>>
      %dma_start3A_14 = arith.constant 0 : i32
      %dma_start3A_15 = arith.constant 0 : i32
      %dma_start3A_16 = tpu.memref_slice %arg3[%dma_start3A_14, %dma_start3A_15] : memref<100000x128xf32, #tpu.memory_space<hbm>> -> memref<100000x128xf32, #tpu.memory_space<hbm>>
      tpu.enqueue_indirect_dma source(%dma_start3A_16 : memref<100000x128xf32, #tpu.memory_space<hbm>>) target(%dma_start3A_11 : memref<128x128xf32, #tpu.memory_space<vmem>>) offsets(%dma_start3A_13 : memref<128xi32, #tpu.memory_space<vmem>>) semaphore(%arg8 : memref<!tpu.dma_semaphore, #tpu.memory_space<semaphore_mem>>)
      %dma_start3A_17 = arith.constant 128 : i32
      %dma_start3A_18 = arith.constant 0 : i32
      %dma_start3A_19 = tpu.memref_slice %arg6[%dma_start3A_17, %dma_start3A_18] : memref<200x128xf32, #tpu.memory_space<vmem>> -> memref<72x128xf32, #tpu.memory_space<vmem>>
      %dma_start3A_20 = arith.constant 128 : i32
      %dma_start3A_21 = tpu.memref_slice %arg5[%dma_start3A_20] : memref<200xi32, #tpu.memory_space<vmem>> -> memref<72xi32, #tpu.memory_space<vmem>>
      %dma_start3A_22 = arith.constant 0 : i32
      %dma_start3A_23 = arith.constant 0 : i32
      %dma_start3A_24 = tpu.memref_slice %arg3[%dma_start3A_22, %dma_start3A_23] : memref<100000x128xf32, #tpu.memory_space<hbm>> -> memref<100000x128xf32, #tpu.memory_space<hbm>>
      tpu.enqueue_indirect_dma source(%dma_start3A_24 : memref<100000x128xf32, #tpu.memory_space<hbm>>) target(%dma_start3A_19 : memref<72x128xf32, #tpu.memory_space<vmem>>) offsets(%dma_start3A_21 : memref<72xi32, #tpu.memory_space<vmem>>) semaphore(%arg8 : memref<!tpu.dma_semaphore, #tpu.memory_space<semaphore_mem>>)
      %dma_wait3A = arith.constant 0 : i32
      %dma_wait3A_25 = arith.constant 0 : i32
      %dma_wait3A_26 = tpu.memref_slice %arg6[%dma_wait3A, %dma_wait3A_25] : memref<200x128xf32, #tpu.memory_space<vmem>> -> memref<128x128xf32, #tpu.memory_space<vmem>>
      %dma_wait3A_27 = arith.constant 0 : i32
      %dma_wait3A_28 = tpu.memref_slice %arg5[%dma_wait3A_27] : memref<200xi32, #tpu.memory_space<vmem>> -> memref<128xi32, #tpu.memory_space<vmem>>
      %dma_wait3A_29 = arith.constant 0 : i32
      %dma_wait3A_30 = arith.constant 0 : i32
      %dma_wait3A_31 = tpu.memref_slice %arg3[%dma_wait3A_29, %dma_wait3A_30] : memref<100000x128xf32, #tpu.memory_space<hbm>> -> memref<100000x128xf32, #tpu.memory_space<hbm>>
      tpu.wait_indirect_dma semaphore(%arg8 : memref<!tpu.dma_semaphore, #tpu.memory_space<semaphore_mem>>) src(%dma_wait3A_31 : memref<100000x128xf32, #tpu.memory_space<hbm>>) dst(%dma_wait3A_26 : memref<128x128xf32, #tpu.memory_space<vmem>>)
      %dma_wait3A_32 = arith.constant 128 : i32
      %dma_wait3A_33 = arith.constant 0 : i32
      %dma_wait3A_34 = tpu.memref_slice %arg6[%dma_wait3A_32, %dma_wait3A_33] : memref<200x128xf32, #tpu.memory_space<vmem>> -> memref<72x128xf32, #tpu.memory_space<vmem>>
      %dma_wait3A_35 = arith.constant 128 : i32
      %dma_wait3A_36 = tpu.memref_slice %arg5[%dma_wait3A_35] : memref<200xi32, #tpu.memory_space<vmem>> -> memref<72xi32, #tpu.memory_space<vmem>>
      %dma_wait3A_37 = arith.constant 0 : i32
      %dma_wait3A_38 = arith.constant 0 : i32
      %dma_wait3A_39 = tpu.memref_slice %arg3[%dma_wait3A_37, %dma_wait3A_38] : memref<100000x128xf32, #tpu.memory_space<hbm>> -> memref<100000x128xf32, #tpu.memory_space<hbm>>
      tpu.wait_indirect_dma semaphore(%arg8 : memref<!tpu.dma_semaphore, #tpu.memory_space<semaphore_mem>>) src(%dma_wait3A_39 : memref<100000x128xf32, #tpu.memory_space<hbm>>) dst(%dma_wait3A_34 : memref<72x128xf32, #tpu.memory_space<vmem>>)
      %scan3A_40 = arith.constant 0 : i32
      %scan3A_41 = arith.constant 0 : i32
      %scan3A_42 = arith.constant 200 : i32
      %scan3A_43 = arith.addi %scan3A_41, %scan3A_42 : i32
      %scan3A_44 = arith.constant 1 : i32
      scf.for %scan3A_46 = %scan3A_41 to %scan3A_43 step %scan3A_44  : i32 {
        %broadcast_in_dim3A = vector.broadcast %scan3A_46 : i32 to vector<16xi32>
        %get3A = arith.index_cast %scan3A_46 : i32 to index
        %get3A_47 = arith.constant 0 : index
        %get3A_48 = tpu.vector_load %arg6[%get3A, %get3A_47] {strides = array<i32>} : memref<200x128xf32, #tpu.memory_space<vmem>>, vector<16xf32>,
        %add3A_49 = arith.constant 0 : i32
        %add3A_50 = vector.broadcast %add3A_49 : i32 to vector<16xi32>
        %add3A_51 = arith.addi %add3A_50, %iota3A : vector<16xi32>
        tpu.vector_store_idx %arg7[%add3A_51, %broadcast_in_dim3A], %get3A_48 : memref<128x200xf32, #tpu.memory_space<vmem>>[vector<16xi32>, vector<16xi32>], vector<16xf32>,
        %get3A_52 = arith.index_cast %scan3A_46 : i32 to index
        %get3A_53 = arith.constant 16 : index
        %get3A_54 = tpu.vector_load %arg6[%get3A_52, %get3A_53] {strides = array<i32>} : memref<200x128xf32, #tpu.memory_space<vmem>>, vector<16xf32>,
        %add3A_55 = arith.constant 16 : i32
        %add3A_56 = vector.broadcast %add3A_55 : i32 to vector<16xi32>
        %add3A_57 = arith.addi %add3A_56, %iota3A : vector<16xi32>
        tpu.vector_store_idx %arg7[%add3A_57, %broadcast_in_dim3A], %get3A_54 : memref<128x200xf32, #tpu.memory_space<vmem>>[vector<16xi32>, vector<16xi32>], vector<16xf32>,
        %get3A_58 = arith.index_cast %scan3A_46 : i32 to index
        %get3A_59 = arith.constant 32 : index
        %get3A_60 = tpu.vector_load %arg6[%get3A_58, %get3A_59] {strides = array<i32>} : memref<200x128xf32, #tpu.memory_space<vmem>>, vector<16xf32>,
        %add3A_61 = arith.constant 32 : i32
        %add3A_62 = vector.broadcast %add3A_61 : i32 to vector<16xi32>
        %add3A_63 = arith.addi %add3A_62, %iota3A : vector<16xi32>
        tpu.vector_store_idx %arg7[%add3A_63, %broadcast_in_dim3A], %get3A_60 : memref<128x200xf32, #tpu.memory_space<vmem>>[vector<16xi32>, vector<16xi32>], vector<16xf32>,
        %get3A_64 = arith.index_cast %scan3A_46 : i32 to index
        %get3A_65 = arith.constant 48 : index
        %get3A_66 = tpu.vector_load %arg6[%get3A_64, %get3A_65] {strides = array<i32>} : memref<200x128xf32, #tpu.memory_space<vmem>>, vector<16xf32>,
        %add3A_67 = arith.constant 48 : i32
        %add3A_68 = vector.broadcast %add3A_67 : i32 to vector<16xi32>
        %add3A_69 = arith.addi %add3A_68, %iota3A : vector<16xi32>
        tpu.vector_store_idx %arg7[%add3A_69, %broadcast_in_dim3A], %get3A_66 : memref<128x200xf32, #tpu.memory_space<vmem>>[vector<16xi32>, vector<16xi32>], vector<16xf32>,
        %get3A_70 = arith.index_cast %scan3A_46 : i32 to index
        %get3A_71 = arith.constant 64 : index
        %get3A_72 = tpu.vector_load %arg6[%get3A_70, %get3A_71] {strides = array<i32>} : memref<200x128xf32, #tpu.memory_space<vmem>>, vector<16xf32>,
        %add3A_73 = arith.constant 64 : i32
        %add3A_74 = vector.broadcast %add3A_73 : i32 to vector<16xi32>
        %add3A_75 = arith.addi %add3A_74, %iota3A : vector<16xi32>
        tpu.vector_store_idx %arg7[%add3A_75, %broadcast_in_dim3A], %get3A_72 : memref<128x200xf32, #tpu.memory_space<vmem>>[vector<16xi32>, vector<16xi32>], vector<16xf32>,
        %get3A_76 = arith.index_cast %scan3A_46 : i32 to index
        %get3A_77 = arith.constant 80 : index
        %get3A_78 = tpu.vector_load %arg6[%get3A_76, %get3A_77] {strides = array<i32>} : memref<200x128xf32, #tpu.memory_space<vmem>>, vector<16xf32>,
        %add3A_79 = arith.constant 80 : i32
        %add3A_80 = vector.broadcast %add3A_79 : i32 to vector<16xi32>
        %add3A_81 = arith.addi %add3A_80, %iota3A : vector<16xi32>
        tpu.vector_store_idx %arg7[%add3A_81, %broadcast_in_dim3A], %get3A_78 : memref<128x200xf32, #tpu.memory_space<vmem>>[vector<16xi32>, vector<16xi32>], vector<16xf32>,
        %get3A_82 = arith.index_cast %scan3A_46 : i32 to index
        %get3A_83 = arith.constant 96 : index
        %get3A_84 = tpu.vector_load %arg6[%get3A_82, %get3A_83] {strides = array<i32>} : memref<200x128xf32, #tpu.memory_space<vmem>>, vector<16xf32>,
        %add3A_85 = arith.constant 96 : i32
        %add3A_86 = vector.broadcast %add3A_85 : i32 to vector<16xi32>
        %add3A_87 = arith.addi %add3A_86, %iota3A : vector<16xi32>
        tpu.vector_store_idx %arg7[%add3A_87, %broadcast_in_dim3A], %get3A_84 : memref<128x200xf32, #tpu.memory_space<vmem>>[vector<16xi32>, vector<16xi32>], vector<16xf32>,
        %get3A_88 = arith.index_cast %scan3A_46 : i32 to index
        %get3A_89 = arith.constant 112 : index
        %get3A_90 = tpu.vector_load %arg6[%get3A_88, %get3A_89] {strides = array<i32>} : memref<200x128xf32, #tpu.memory_space<vmem>>, vector<16xf32>,
        %add3A_91 = arith.constant 112 : i32
        %add3A_92 = vector.broadcast %add3A_91 : i32 to vector<16xi32>
        %add3A_93 = arith.addi %add3A_92, %iota3A : vector<16xi32>
        tpu.vector_store_idx %arg7[%add3A_93, %broadcast_in_dim3A], %get3A_90 : memref<128x200xf32, #tpu.memory_space<vmem>>[vector<16xi32>, vector<16xi32>], vector<16xf32>,
      }
      %scan3A_45 = arith.constant 200 : i32
      "tpu.region"() ({
        %run_scoped3A = tpu.sem_alloc : memref<!tpu.dma_semaphore, #tpu.memory_space<semaphore_mem>>
        %dma_start3A_46 = arith.constant 0 : i32
        %dma_start3A_47 = arith.constant 0 : i32
        %dma_start3A_48 = tpu.memref_slice %arg4[%add3A_9, %dma_start3A_46, %dma_start3A_47] : memref<4096x128x200xf32, #tpu.memory_space<hbm>> -> memref<1x128x200xf32, #tpu.memory_space<hbm>>
        %dma_start3A_49 = tpu.memref_squeeze %dma_start3A_48 : memref<1x128x200xf32, #tpu.memory_space<hbm>> -> memref<128x200xf32, #tpu.memory_space<hbm>>
        %dma_start3A_50 = arith.constant 0 : i32
        %dma_start3A_51 = arith.constant 0 : i32
        %dma_start3A_52 = tpu.memref_slice %arg4[%add3A_9, %dma_start3A_50, %dma_start3A_51] : memref<4096x128x200xf32, #tpu.memory_space<hbm>> -> memref<1x128x200xf32, #tpu.memory_space<hbm>>
        %dma_start3A_53 = tpu.memref_squeeze %dma_start3A_52 : memref<1x128x200xf32, #tpu.memory_space<hbm>> -> memref<128x200xf32, #tpu.memory_space<hbm>>
        tpu.enqueue_dma source(%arg7 : memref<128x200xf32, #tpu.memory_space<vmem>>) target(%dma_start3A_53 : memref<128x200xf32, #tpu.memory_space<hbm>>) target_semaphore(%run_scoped3A : memref<!tpu.dma_semaphore, #tpu.memory_space<semaphore_mem>>)
        %dma_wait3A_54 = arith.constant 0 : i32
        %dma_wait3A_55 = arith.constant 0 : i32
        %dma_wait3A_56 = tpu.memref_slice %arg4[%add3A_9, %dma_wait3A_54, %dma_wait3A_55] : memref<4096x128x200xf32, #tpu.memory_space<hbm>> -> memref<1x128x200xf32, #tpu.memory_space<hbm>>
        %dma_wait3A_57 = tpu.memref_squeeze %dma_wait3A_56 : memref<1x128x200xf32, #tpu.memory_space<hbm>> -> memref<128x200xf32, #tpu.memory_space<hbm>>
        %dma_wait3A_58 = arith.constant 0 : i32
        %dma_wait3A_59 = arith.constant 0 : i32
        %dma_wait3A_60 = tpu.memref_slice %arg4[%add3A_9, %dma_wait3A_58, %dma_wait3A_59] : memref<4096x128x200xf32, #tpu.memory_space<hbm>> -> memref<1x128x200xf32, #tpu.memory_space<hbm>>
        %dma_wait3A_61 = tpu.memref_squeeze %dma_wait3A_60 : memref<1x128x200xf32, #tpu.memory_space<hbm>> -> memref<128x200xf32, #tpu.memory_space<hbm>>
        tpu.wait_dma2 semaphore(%run_scoped3A : memref<!tpu.dma_semaphore, #tpu.memory_space<semaphore_mem>>) src(%arg7 : memref<128x200xf32, #tpu.memory_space<vmem>>) dst(%dma_wait3A_61 : memref<128x200xf32, #tpu.memory_space<hbm>>)
        tpu.yield
      }) : () -> ()
    }
    %scan3A_5 = arith.constant 128 : i32
    return
  }
}

</mosaic_0001>

<sc_bundles>
// kernel: kernel.3.cloned.1.call-start
scs
__scs_entry_jumppad:
0x0: {  	(pc) =	sbr.rel $0x88, $3  }
0x1: {  	(tag) =	ssettag $0x0;
	lr =	simm.s32 $0x1  }
0x2: {  	[smem:$0x3F9F] =	sst lr;
	_ =	strace $0xD0000000  }
0x3: {  	_ = 	snop  }
0x4: {  	_ = 	snop  }
0x5: {  	_ = 	snop  }
0x6: {  	_ = 	snop  }
0x7: {  	_ = 	snop  }
__scs_overlays_trampoline_lowered:
0x8: {  	[smem:$0x3FAE] =	sst s0  }
0x9: {  	[smem:$0x3FAF] =	sst s1  }
0xa: {  	[smem:$0x3FB0] =	sst s2  }
0xb: {  	[smem:$0x3FB1] =	sst s3  }
0xc: {  	[smem:$0x3FB2] =	sst s4  }
0xd: {  	[smem:$0x3FB3] =	sst s5  }
0xe: {  	[smem:$0x3FB4] =	sst s6  }
0xf: {  	[smem:$0x3FB5] =	sst s7  }
0x10: {  	[smem:$0x3FB6] =	sst s8  }
0x11: {  	[smem:$0x3FB7] =	sst s9;
	s0 =	simm.s32 @!p0 $0x0  }
0x12: {  	s1 =	sld [smem:$0x3F9D];
	s0 =	simm.s32 @p0 $0x1  }
0x13: {  	[smem:$0x3FB8] =	sst s0;
	s0 =	simm.s32 @!p1 $0x0  }
0x14: {  	s2 =	sld [smem:$0x3F9C];
	s0 =	simm.s32 @p1 $0x1  }
0x15: {  	[smem:$0x3FB9] =	sst s0;
	s0 =	simm.s32 @!p2 $0x0  }
0x16: {  	s3 =	sld [smem:$0x3FDB];
	s0 =	simm.s32 @p2 $0x1  }
0x17: {  	s4 =	simm.s32 $0x1BF5;
	[smem:$0x3FBB] =	sst s0  }
0x18: {  	s0 =	sld [smem:$0x3F9E];
	_ =	swait.ge [sflag:s4], $0x0  }
0x19: {  	s7 =	sld [smem:$0x3F9F]  }
0x1a: {  	s8 =	sadd.s32 $0xFFFFE003, lr  }
0x1b: {  	s9 =	sadd.s32 $0xFFFFFEF7, lr;
	s5 =	simm.s32 $0xFFFFFFFF;
	p2 =	slt.u32 s8, $0xFFFFF086  }
0x1c: {  	p1 =	slt.u32 s9, $0xF7A;
	s5 =	simm.s32 @!p2 $0x0  }
0x1d: {  	s5 =	simm.s32 @p1 $0x1;
	p0 =	seq.s32 s7, s2  }
0x1e: {  	s7 =	smul.u32 @!p0 $0xF7A, s2;
	p2 =	seq.s32 @!p0 s5, $0x0  }
0x1f: {  	s9 =	smul.u32 $0xF7A, s1;
	s8 =	simm.s32 @!p0 $0x1BF5;
	p2 =	por !p2, p0  }
0x20: {  	[sflag:s8] =	ssyncset.s32 @!p0 $0xFFFFF086;
	s6 =	sadd.s32 @!p0 s3, s7;
	s7 =	simm.s32 @!p0 $0x108  }
0x21: {  	s3 =	sadd.s32 s3, s9;
	s6 =	sadd.s32 @!p0 $0x88, s6;
	s7 =	simm.s32 @p2 $0x1082  }
0x22: {  	[simem:s7], [sflag:s8] =	dma.local @!p0 [hbm:s6], $0xF7A  }
0x23: {  	s9 =	sor.u32 $0xD0000000, s2;
	s6 =	simm.s32 $0x108;
	_ =	swait.ge @!p0 [sflag:s8], $0x0  }
0x24: {  	s3 =	sadd.s32 $0x88, s3;
	s6 =	simm.s32 @!p1 $0x1082;
	[sflag:s4] =	ssyncset.s32 $0xFFFFF086  }
0x25: {  	[simem:s6], [sflag:s4] =	dma.local [hbm:s3], $0xF7A  }
0x26: {  	[smem:$0x3F9F] =	sst s1;
	(tag) =	ssettag s2;
	_ =	strace s9  }
0x27: {  	s1 =	sld [smem:$0x3FAF]  }
0x28: {  	s2 =	sld [smem:$0x3FB0]  }
0x29: {  	s4 =	sld [smem:$0x3FB2]  }
0x2a: {  	p0 =	seq.s32 s5, $0x0;
	s5 =	sld [smem:$0x3FB3]  }
0x2b: {  	s6 =	sld [smem:$0x3FB4]  }
0x2c: {  	s7 =	sld [smem:$0x3FB5]  }
0x2d: {  	s3 =	simm.s32 $0x108;
	s8 =	sld [smem:$0x3FB6]  }
0x2e: {  	s3 =	simm.s32 @!p0 $0x1082;
	s9 =	sld [smem:$0x3FB7]  }
0x2f: {  	lr =	sadd.s32 s0, s3;
	s0 =	sld [smem:$0x3FAE]  }
0x30: {  	s3 =	sld [smem:$0x3FB1]  }
0x31: {  	[smem:$0x3FBA] =	sst s10  }
0x32: {  	s10 =	sld [smem:$0x3FB8];
	_ =	sdelay $0x3  }
0x33: {  	p0 =	seq.s32 s10, $0x1;
	s10 =	sld [smem:$0x3FBA];
	_ =	sdelay $0x3  }
0x34: {  	[smem:$0x3FBA] =	sst s10  }
0x35: {  	s10 =	sld [smem:$0x3FB9];
	_ =	sdelay $0x3  }
0x36: {  	p1 =	seq.s32 s10, $0x1;
	s10 =	sld [smem:$0x3FBA];
	_ =	sdelay $0x3  }
0x37: {  	[smem:$0x3FBA] =	sst s10  }
0x38: {  	s10 =	sld [smem:$0x3FBB]  }
0x39: {  	_ = 	snop;
	(pc) =	sbr.ind lr, $3  }
0x3a: {  	_ = 	snop  }
0x3b: {  	_ = 	snop  }
0x3c: {  	p2 =	seq.s32 s10, $0x1;
	s10 =	sld [smem:$0x3FBA]  }
0x3d: {  	_ =	shalt  }
0x3e: {  	_ =	shalt  }
0x3f: {  	_ =	shalt  }
0x40: {  	_ =	shalt  }
0x41: {  	_ =	shalt  }
0x42: {  	_ =	shalt  }
0x43: {  	_ =	shalt  }
0x44: {  	_ =	shalt  }
0x45: {  	_ =	shalt  }
0x46: {  	_ =	shalt  }
0x47: {  	_ =	shalt  }
0x48: {  	_ =	shalt  }
0x49: {  	_ =	shalt  }
0x4a: {  	_ =	shalt  }
0x4b: {  	_ =	shalt  }
0x4c: {  	_ =	shalt  }
0x4d: {  	_ =	shalt  }
0x4e: {  	_ =	shalt  }
0x4f: {  	_ =	shalt  }
0x50: {  	_ =	shalt  }
0x51: {  	_ =	shalt  }
0x52: {  	_ =	shalt  }
0x53: {  	_ =	shalt  }
0x54: {  	_ =	shalt  }
0x55: {  	_ =	shalt  }
0x56: {  	_ =	shalt  }
0x57: {  	_ =	shalt  }
0x58: {  	_ =	shalt  }
0x59: {  	_ =	shalt  }
0x5a: {  	_ =	shalt  }
0x5b: {  	_ =	shalt  }
0x5c: {  	_ =	shalt  }
0x5d: {  	_ =	shalt  }
0x5e: {  	_ =	shalt  }
0x5f: {  	_ =	shalt  }
0x60: {  	_ =	shalt  }
0x61: {  	_ =	shalt  }
0x62: {  	_ =	shalt  }
0x63: {  	_ =	shalt  }
0x64: {  	_ =	shalt  }
0x65: {  	_ =	shalt  }
0x66: {  	_ =	shalt  }
0x67: {  	_ =	shalt  }
0x68: {  	_ =	shalt  }
0x69: {  	_ =	shalt  }
0x6a: {  	_ =	shalt  }
0x6b: {  	_ =	shalt  }
0x6c: {  	_ =	shalt  }
0x6d: {  	_ =	shalt  }
0x6e: {  	_ =	shalt  }
0x6f: {  	_ =	shalt  }
0x70: {  	_ =	shalt  }
0x71: {  	_ =	shalt  }
0x72: {  	_ =	shalt  }
0x73: {  	_ =	shalt  }
0x74: {  	_ =	shalt  }
0x75: {  	_ =	shalt  }
0x76: {  	_ =	shalt  }
0x77: {  	_ =	shalt  }
0x78: {  	_ =	shalt  }
0x79: {  	_ =	shalt  }
0x7a: {  	_ =	shalt  }
0x7b: {  	_ =	shalt  }
0x7c: {  	_ =	shalt  }
0x7d: {  	_ =	shalt  }
0x7e: {  	_ =	shalt  }
0x7f: {  	_ =	shalt  }
0x80: {  	_ =	shalt  }
0x81: {  	_ =	shalt  }
0x82: {  	_ =	shalt  }
0x83: {  	_ =	shalt  }
0x84: {  	_ =	shalt  }
0x85: {  	_ =	shalt  }
0x86: {  	_ =	shalt  }
0x87: {  	_ =	shalt  }
.Lfunc_end0:
.L_simem_size_0:
called_computation.1_lowered:
.L_overlay_start_0:
0x88: {  	s2 =	sld [smem:$0x3FD9]  }
0x89: {  	s3 =	sld [smem:$0x3FFE];
	_ =	sdelay $0x1  }
0x8a: {  	s1 =	srdreg.scid  }
0x8b: {  	s0 =	sand.u32 $0x1, s1  }
0x8c: {  	s17 =	sshll.u32 s0, $0xA;
	s2 =	sadd.s32 s3, s2  }
0x8d: {  	s2 =	sadd.s32 s2, s17  }
0x8e: {  	[smem:$0x3FC6] =	sst s2  }
0x8f: {  	_ = 	snop  }
0x90: {  	s2 =	sld [smem:$0x3FC8]  }
0x91: {  	s18 =	sld [smem:$0x3FD0];
	(tm) =	ssettm $0x1  }
0x92: {  	s4 =	sld [smem:$0x3FFB];
	_ =	sdelay $0x3  }
0x93: {  	_ =	strace s4  }
0x94: {  	s4 =	sld [smem:$0x3FFC];
	_ =	sdelay $0x3  }
0x95: {  	_ =	strace s4  }
0x96: {  	s4 =	sld [smem:$0x3FFD];
	_ =	sdelay $0x3  }
0x97: {  	_ =	strace s4  }
0x98: {  	_ =	strace $0x8FFFFFFF  }
0x99: {  	s19 =	sld [smem:$0x3FDB];
	_ =	sdelay $0x1  }
0x9a: {  	s5 =	simm.s32 $_scs_section_size  }
0x9b: {  	s6 =	simm.s32 $_size__tile_overlayer_lowered;
	s7 =	simm.s32 $_tile_overlayer_lowered  }
0x9c: {  	s22 =	simm.s32 $0x1BFF;
	s21 =	sshll.u32 s7, $0x1;
	s4 =	sadd.s32 s5, s19  }
0x9d: {  	s8 =	simm.s32 $0x0;
	s20 =	sshll.u32 s6, $0x1;
	s6 =	sadd.s32 s21, s4  }
0x9e: {  	[timem:s8], [sflag:s22] =	dma.local [hbm:s6], s20  }
0x9f: {  	_ =	swait.ge [sflag:s22], s20  }
0xa0: {  	s5 =	ssub.s32 $0x0, s20;
	[sflag:s22] =	ssyncset.done $0x0  }
0xa1: {  	[sflag:s22] =	ssyncadd.s32 s5;
	_ =	sdelay $0x1  }
0xa2: {  	s23 =	simm.s32 $0x1B8B  }
0xa3: {  	_ =	swait.ge [sflag:s23], $0x1  }
0xa4: {  	[sflag:s23] =	ssyncset.done $0x0  }
0xa5: {  	s25 =	simm.s32 $0x1B8E;
	s24 =	sld [smem:$0x3FFE];
	[sflag:s23] =	ssyncadd.s32 $0xFFFFFFFF  }
0xa6: {  	s26 =	simm.s32 $execute0_lowered;
	[smem:$0x3FD2] =	sst s25  }
0xa7: {  	s6 =	sshll.u32 s26, $0x1;
	_ =	strace $0x80000046;
	[dreg:$0x1] =	wrdreg $0xFFFFFFFF  }
0xa8: {  	s28 =	simm.s32 $_size_execute0_lowered;
	s4 =	sadd.s32 s4, s6;
	[dreg:$0x0] =	wrdreg $0x0  }
0xa9: {  	s6 =	sshll.u32 s28, $0x1;
	[dreg:$0x2] =	wrdreg s4  }
0xaa: {  	[dreg:$0x3] =	wrdreg s6  }
0xab: {  	[dreg:$0x4] =	wrdreg $0xC0  }
0xac: {  	_ =	task [dreg:s8], $0x5FFFF  }
0xad: {  	[dreg:$0x1] =	wrdreg $0xFFFFFFFF  }
0xae: {  	[dreg:$0x0] =	wrdreg $0x60  }
0xaf: {  	[dreg:$0x2] =	wrdreg s24  }
0xb0: {  	[dreg:$0x3] =	wrdreg s2  }
0xb1: {  	[dreg:$0x4] =	wrdreg s18  }
0xb2: {  	[dreg:$0x5] =	wrdreg $0x9  }
0xb3: {  	_ =	task.clear_ibuf [dreg:s8], $0x6FFFF;
	_ =	strace $0x90000046  }
0xb4: {  	s29 =	simm.s32 $0x9;
	_ =	strace $0x80000048  }
0xb5: {  	_ =	swait.ge [sflag:s29], $0x1  }
0xb6: {  	[sflag:s29] =	ssyncadd.s32 $0xFFFFFFFF  }
0xb7: {  	_ =	strace $0x90000048  }
0xb8: {  	_ =	sfence  }
0xb9: {  	s30 =	sld [smem:$0x0];
	_ =	sdelay $0x2  }
0xba: {  	s31 =	sshll.u32 s1, $0xD;
	s1 =	sshrl.u32 s1, $0x2  }
0xbb: {  	s3 =	sand.u32 $0x4000, s31;
	s1 =	sadd.s32 s1, s30  }
0xbc: {  	s0 =	sor.u32 s3, s0;
	s1 =	sshll.u32 s1, $0x11  }
0xbd: {  	s0 =	sor.u32 s1, s0  }
0xbe: {  	s0 =	sadd.s32 $0x8F2B, s0  }
0xbf: {  	[sflag:s0] =	ssyncadd.remote.s32 $0x1  }
0xc0: {  	_ =	sfence.sel $0xFFFF  }
0xc1: {  	[dreg:$0x0] =	wrdreg $0xFFFFFFFF;
	(pc) =	sbr.abs _section_cstart, $3  }
0xc2: {  	[dreg:$0x1] =	wrdreg $0xFFFFFFFF  }
0xc3: {  	_ =	task.clear_ibuf [dreg:s8], $0x2FFFF;
	_ =	strace $0x9FFFFFFF  }
0xc4: {  	(tm) =	ssettm $0x7FFFFFFF  }
0xc5: {  	_ =	shalt  }
tec
execute0_lowered:
.L_overlay_start_1:
0x0: {  	(tag) =	ssettag $0x1  }
0x1: {  	s6 =	rddreg [dreg:$0x0]  }
0x2: {  	s1 =	rddreg [dreg:$0x1]  }
0x3: {  	s2 =	rddreg [dreg:$0x2]  }
0x4: {  	s4 =	srdreg.scid;
	s0 =	rddreg [dreg:$0x3];
	s3 =	simm.s32 $0x0  }
0x5: {  	v0 =	vlaneseq.u32;
	s5 =	stileid.u32;
	s9 =	simm.s32 $0x2;
	s10 =	simm.s32 $0x80  }
0x6: {  	s11 =	simm.s32 $0xC8;
	s12 =	simm.s32 $0x48;
	s4 =	sand.u32 $0x1, s4;
	v0 =	vmul.u32 $0xC8, v0  }
0x7: {  	s13 =	simm.s32 $0x40C8;
	s14 =	simm.s32 $0x1;
	s7 =	ssub.s32 $0x2, s4  }
0x8: {  	s15 =	simm.s32 $0x64C8;
	s16 =	simm.s32 $0x0;
	s8 =	sshrl.u32 s7, $0x1;
	v1 =	vadd.s32 $0xC80, v0  }
0x9: {  	[smem:$0x7FF] =	sst s3;
	s6 =	sadd.s32 $0x800, s6;
	v2 =	vadd.s32 $0x1900, v0;
	v3 =	vadd.s32 $0x2580, v0;
	v4 =	vadd.s32 $0x3200, v0;
	s8 =	ssub.s32 s7, s8  }
0xa: {  	_ =	strace $0x80000047;
	v5 =	vadd.s32 $0x3E80, v0;
	v6 =	vadd.s32 $0x4B00, v0;
	v7 =	vadd.s32 $0x5780, v0;
	s7 =	sshll.u32 s5, $0x1;
	s8 =	smax.u32 s8, $0x1  }
.LBB2_1:
0xb: {  	s17 =	simm.s32 $0x0  }
.LBB2_2:
0xc: {  	s18 =	sshll.u32 s17, $0x5  }
0xd: {  	s18 =	sor.u32 s18, s7  }
0xe: {  	s18 =	sor.u32 s4, s18  }
0xf: {  	s19 =	smul.u32 $0x19, s18;
	_ =	sdelay $0x1  }
0x10: {  	s20 =	simm.s32 $0x0;
	s19 =	sadd.s32 s6, s19  }
0x11: {  	[tilespmem:s20], [sflag:$0x2] =	stream.linear.gather [hbm4b:s19+s20], $0xC8, $0x38;
	[tilespmem:$0xC8C8] =	vst v63  }
0x12: {  	_ =	swait.ge [sflag:s9], $0xC8  }
0x13: {  	[sflag:s9] =	ssyncset.done $0x0  }
0x14: {  	[sflag:s9] =	ssyncadd.s32 $0xFFFFFF38  }
0x15: {  	[tilespmem:s11], [sflag:$0x1] =	stream.indirect.gather [hbm4b:s1+s10], $0x80, s20, s10, $0xb8;
	[tilespmem:$0xC8C8] =	vst v63  }
0x16: {  	_ = 	snop  }
0x17: {  	[tilespmem:s13], [sflag:$0x1] =	stream.indirect.gather [hbm4b:s1+s12], $0x80, s10, s12, $0xb8;
	[tilespmem:$0xC8C8] =	vst v63  }
0x18: {  	_ =	swait.ge [sflag:s14], $0x4000  }
0x19: {  	[sflag:s14] =	ssyncset.done $0x0  }
0x1a: {  	[sflag:s14] =	ssyncadd.s32 $0xFFFFC000  }
0x1b: {  	_ =	swait.ge [sflag:s14], $0x2400  }
0x1c: {  	v8 =	vmov s20;
	[sflag:s14] =	ssyncset.done $0x0  }
0x1d: {  	v9 =	vand.u32 $0xFF, v8;
	s19 =	simm.s32 $0x108;
	[sflag:s14] =	ssyncadd.s32 $0xFFFFDC00  }
0x1e: {  	v10 =	vadd.s32 v0, v9;
	v8 =	vld [tilespmem:s19+$0xFFFFFFC0];
	_ =	sdelay $0x4  }
0x1f: {  	[tilespmem:v10+s15+$0x0] =	vst.idx.msk $0xffff, v8  }
0x20: {  	v10 =	vadd.s32 v1, v9;
	v8 =	vld [tilespmem:s19+$0xFFFFFFD0];
	_ =	sdelay $0x4  }
0x21: {  	[tilespmem:v10+s15+$0x0] =	vst.idx.msk $0xffff, v8  }
0x22: {  	v10 =	vadd.s32 v2, v9;
	v8 =	vld [tilespmem:s19+$0xFFFFFFE0];
	_ =	sdelay $0x4  }
0x23: {  	[tilespmem:v10+s15+$0x0] =	vst.idx.msk $0xffff, v8  }
0x24: {  	v10 =	vadd.s32 v3, v9;
	v8 =	vld [tilespmem:s19+$0xFFFFFFF0];
	_ =	sdelay $0x4  }
0x25: {  	[tilespmem:v10+s15+$0x0] =	vst.idx.msk $0xffff, v8  }
0x26: {  	v10 =	vadd.s32 v4, v9;
	v8 =	vld [tilespmem:s19+$0x0];
	_ =	sdelay $0x4  }
0x27: {  	[tilespmem:v10+s15+$0x0] =	vst.idx.msk $0xffff, v8  }
0x28: {  	v10 =	vadd.s32 v5, v9;
	v8 =	vld [tilespmem:s19+$0x10];
	_ =	sdelay $0x4  }
0x29: {  	[tilespmem:v10+s15+$0x0] =	vst.idx.msk $0xffff, v8  }
0x2a: {  	v10 =	vadd.s32 v6, v9;
	v8 =	vld [tilespmem:s19+$0x20];
	_ =	sdelay $0x4  }
0x2b: {  	[tilespmem:v10+s15+$0x0] =	vst.idx.msk $0xffff, v8  }
0x2c: {  	v9 =	vadd.s32 v7, v9;
	v8 =	vld [tilespmem:s19+$0x30];
	_ =	sdelay $0x2  }
0x2d: {  	s31 =	simm.s32 $0x1  }
0x2e: {  	s20 =	simm.s32 $0x2;
	v10 =	vmov s31  }
.LBB2_3:
0x2f: {  	p0 =	sne.s32 s20, $0xC7;
	v10 =	vand.u32 $0xFF, v10;
	[tilespmem:v9+s15+$0x0] =	vst.idx.msk $0xffff, v8;
	s19 =	sadd.s32 $0x80, s19  }
0x30: {  	v8 =	vld [tilespmem:s19+$0xFFFFFFC0];
	v9 =	vadd.s32 v0, v10;
	_ =	sdelay $0x4  }
0x31: {  	[tilespmem:v9+s15+$0x0] =	vst.idx.msk $0xffff, v8  }
0x32: {  	v9 =	vadd.s32 v1, v10;
	v8 =	vld [tilespmem:s19+$0xFFFFFFD0];
	_ =	sdelay $0x4  }
0x33: {  	[tilespmem:v9+s15+$0x0] =	vst.idx.msk $0xffff, v8  }
0x34: {  	v9 =	vadd.s32 v2, v10;
	v8 =	vld [tilespmem:s19+$0xFFFFFFE0];
	_ =	sdelay $0x4  }
0x35: {  	[tilespmem:v9+s15+$0x0] =	vst.idx.msk $0xffff, v8  }
0x36: {  	v9 =	vadd.s32 v3, v10;
	v8 =	vld [tilespmem:s19+$0xFFFFFFF0];
	_ =	sdelay $0x4  }
0x37: {  	[tilespmem:v9+s15+$0x0] =	vst.idx.msk $0xffff, v8  }
0x38: {  	v9 =	vadd.s32 v4, v10;
	v8 =	vld [tilespmem:s19+$0x0];
	_ =	sdelay $0x4  }
0x39: {  	[tilespmem:v9+s15+$0x0] =	vst.idx.msk $0xffff, v8  }
0x3a: {  	v9 =	vadd.s32 v5, v10;
	v8 =	vld [tilespmem:s19+$0x10];
	_ =	sdelay $0x4  }
0x3b: {  	[tilespmem:v9+s15+$0x0] =	vst.idx.msk $0xffff, v8  }
0x3c: {  	v9 =	vadd.s32 v6, v10;
	v8 =	vld [tilespmem:s19+$0x20];
	_ =	sdelay $0x4  }
0x3d: {  	[tilespmem:v9+s15+$0x0] =	vst.idx.msk $0xffff, v8  }
.Ltmp0:
0x3e: {  	v9 =	vadd.s32 v7, v10;
	v8 =	vld [tilespmem:s19+$0x30];
	(pc) =	sbr.rel @p0 .LBB2_3-.Ltmp0, $2  }
0x3f: {  	_ =	sdelay $0x2  }
0x40: {  	v10 =	vmov s20;
	s20 =	sadd.s32 $0x1, s20  }
0x41: {  	_ =	sdelay $0x3  }
0x42: {  	v10 =	vand.u32 $0xFF, v10;
	[tilespmem:v9+s15+$0x0] =	vst.idx.msk $0xffff, v8;
	s19 =	sadd.s32 $0x80, s19  }
0x43: {  	v8 =	vld [tilespmem:s19+$0xFFFFFFC0];
	v56 =	vadd.s32 v0, v10;
	_ =	sdelay $0x4  }
0x44: {  	[tilespmem:v56+s15+$0x0] =	vst.idx.msk $0xffff, v8  }
0x45: {  	v57 =	vadd.s32 v1, v10;
	v8 =	vld [tilespmem:s19+$0xFFFFFFD0];
	_ =	sdelay $0x4  }
0x46: {  	[tilespmem:v57+s15+$0x0] =	vst.idx.msk $0xffff, v8  }
0x47: {  	v58 =	vadd.s32 v2, v10;
	v8 =	vld [tilespmem:s19+$0xFFFFFFE0];
	_ =	sdelay $0x4  }
0x48: {  	[tilespmem:v58+s15+$0x0] =	vst.idx.msk $0xffff, v8  }
0x49: {  	v59 =	vadd.s32 v3, v10;
	v8 =	vld [tilespmem:s19+$0xFFFFFFF0];
	_ =	sdelay $0x4  }
0x4a: {  	[tilespmem:v59+s15+$0x0] =	vst.idx.msk $0xffff, v8  }
0x4b: {  	v60 =	vadd.s32 v4, v10;
	v8 =	vld [tilespmem:s19+$0x0];
	_ =	sdelay $0x4  }
0x4c: {  	[tilespmem:v60+s15+$0x0] =	vst.idx.msk $0xffff, v8  }
0x4d: {  	v61 =	vadd.s32 v5, v10;
	v8 =	vld [tilespmem:s19+$0x10];
	_ =	sdelay $0x4  }
0x4e: {  	[tilespmem:v61+s15+$0x0] =	vst.idx.msk $0xffff, v8  }
0x4f: {  	v62 =	vadd.s32 v6, v10;
	v8 =	vld [tilespmem:s19+$0x20];
	_ =	sdelay $0x4  }
0x50: {  	[tilespmem:v62+s15+$0x0] =	vst.idx.msk $0xffff, v8  }
0x51: {  	v63 =	vadd.s32 v7, v10;
	v8 =	vld [tilespmem:s19+$0x30];
	_ =	sdelay $0x2  }
0x52: {  	s18 =	smul.u32 $0xC80, s18;
	s17 =	sadd.s32 $0x1, s17  }
0x53: {  	p0 =	sne.s32 s17, $0x80  }
.Ltmp1:
0x54: {  	s18 =	sadd.s32 s2, s18;
	[tilespmem:v63+s15+$0x0] =	vst.idx.msk $0xffff, v8;
	(pc) =	sbr.rel @p0 .LBB2_2-.Ltmp1, $4  }
0x55: {  	[hbm4b:s18+s3] =	stream.linear.scatter [tilespmem:s15], [sflag:$0x2], $0x6400, $0x38;
	[tilespmem:$0xC8C8] =	vst v63  }
0x56: {  	_ =	swait.ge [sflag:s9], $0x6400  }
0x57: {  	[sflag:s9] =	ssyncset.done $0x0  }
0x58: {  	[sflag:s9] =	ssyncadd.s32 $0xFFFF9C00  }
0x59: {  	s16 =	sadd.s32 $0x1, s16  }
0x5a: {  	p0 =	sne.s32 s16, s8  }
.Ltmp2:
0x5b: {  	_ = 	snop;
	(pc) =	sbr.rel @p0 .LBB2_1-.Ltmp2, $1  }
0x5c: {  	_ =	sdelay $0x3  }
0x5d: {  	_ =	sfence.sel $0x180000  }
0x5e: {  	[bflag:$0x0] =	sbarrier.arrive $0xFFFF  }
0x5f: {  	p0 =	sne.s32 s5, $0x0;
	_ =	strace $0x90000047  }
0x60: {  	s0 =	sadd.s32 @!p0 $0x100000, s0;
	[bflag:$0x2] =	sbarrier.arrive $0xFFFF  }
0x61: {  	[sflag:s0] =	ssyncadd.tile.s32 @!p0 $0x1;
	_ =	shalt  }
.Lfunc_end2:
_tile_overlayer_lowered:
.L_overlay_start_2:
0x62: {  	(tag) =	ssettag $0x2  }
0x63: {  	s0 =	rddreg [dreg:$0x0];
	s2 =	stileid.u32  }
0x64: {  	s1 =	rddreg [dreg:$0x1];
	p0 =	sne.s32 s2, $0x0  }
0x65: {  	s3 =	rddreg [dreg:$0x2];
	[bflag:$0x3] =	sbarrier.arrive $0xFFFF;
	s2 =	simm.s32 @!p0 $0x1C02  }
0x66: {  	[timem:s3], [sflag:s2] =	dma.local @!p0 [hbm:s0], s1  }
0x67: {  	s0 =	simm.s32 @!p0 $0x2  }
0x68: {  	_ =	swait.ge @!p0 [sflag:s0], s1  }
0x69: {  	s1 =	ssub.s32 @!p0 $0x0, s1;
	[sflag:s0] =	ssyncset.done @!p0 $0x0  }
0x6a: {  	[sflag:s0] =	ssyncadd.s32 @!p0 s1  }
0x6b: {  	[bflag:$0x3] =	sbarrier.arrive $0xFFFF  }
0x6c: {  	_ =	shalt  }

// kernel: sparse-core-data-format-call.cloned.1.call-start
scs
called_computation_lowered:
.L_overlay_start_0:
0x0: {  	s2 =	sld [smem:$0x3FD9]  }
0x1: {  	s3 =	sld [smem:$0x3FFE];
	_ =	sdelay $0x1  }
0x2: {  	s1 =	srdreg.scid  }
0x3: {  	s0 =	sand.u32 $0x1, s1  }
0x4: {  	s18 =	sshll.u32 s0, $0xA;
	s2 =	sadd.s32 s3, s2  }
0x5: {  	s2 =	sadd.s32 s2, s18  }
0x6: {  	[smem:$0x3FC6] =	sst s2  }
0x7: {  	_ = 	snop  }
0x8: {  	s2 =	sld [smem:$0x3FD0];
	(tm) =	ssettm $0x1  }
0x9: {  	s19 =	sld [smem:$0x3FFB];
	_ =	sdelay $0x3  }
0xa: {  	_ =	strace s19  }
0xb: {  	s3 =	sld [smem:$0x3FFC];
	_ =	sdelay $0x3  }
0xc: {  	_ =	strace s3  }
0xd: {  	s3 =	sld [smem:$0x3FFD];
	_ =	sdelay $0x3  }
0xe: {  	_ =	strace s3  }
0xf: {  	_ =	strace $0x8FFFFFFF  }
0x10: {  	s20 =	sld [smem:$0x3FDB];
	_ =	sdelay $0x1  }
0x11: {  	s4 =	simm.s32 $_scs_section_size  }
0x12: {  	s5 =	simm.s32 $_size__tile_overlayer_lowered;
	s6 =	simm.s32 $_tile_overlayer_lowered  }
0x13: {  	s23 =	simm.s32 $0x1BFF;
	s22 =	sshll.u32 s6, $0x1;
	s3 =	sadd.s32 s4, s20  }
0x14: {  	s7 =	simm.s32 $0x0;
	s21 =	sshll.u32 s5, $0x1;
	s5 =	sadd.s32 s22, s3  }
0x15: {  	[timem:s7], [sflag:s23] =	dma.local [hbm:s5], s21  }
0x16: {  	_ =	swait.ge [sflag:s23], s21  }
0x17: {  	s4 =	ssub.s32 $0x0, s21;
	[sflag:s23] =	ssyncset.done $0x0  }
0x18: {  	[sflag:s23] =	ssyncadd.s32 s4;
	_ =	sdelay $0x1  }
0x19: {  	s24 =	simm.s32 $0x1B8B  }
0x1a: {  	_ =	swait.ge [sflag:s24], $0x1  }
0x1b: {  	[sflag:s24] =	ssyncset.done $0x0  }
0x1c: {  	s26 =	simm.s32 $0x1B8E;
	s25 =	sld [smem:$0x3FFE];
	[sflag:s24] =	ssyncadd.s32 $0xFFFFFFFF  }
0x1d: {  	s27 =	simm.s32 $execute0_lowered;
	[smem:$0x3FD2] =	sst s26  }
0x1e: {  	s5 =	sshll.u32 s27, $0x1;
	_ =	strace $0x80000049;
	[dreg:$0x1] =	wrdreg $0xFFFFFFFF  }
0x1f: {  	s28 =	simm.s32 $_size_execute0_lowered;
	s3 =	sadd.s32 s3, s5;
	[dreg:$0x0] =	wrdreg $0x0  }
0x20: {  	s5 =	sshll.u32 s28, $0x1;
	[dreg:$0x2] =	wrdreg s3  }
0x21: {  	[dreg:$0x3] =	wrdreg s5  }
0x22: {  	[dreg:$0x4] =	wrdreg $0xC0  }
0x23: {  	_ =	task [dreg:s7], $0x5FFFF  }
0x24: {  	[dreg:$0x1] =	wrdreg $0xFFFFFFFF  }
0x25: {  	[dreg:$0x0] =	wrdreg $0x60  }
0x26: {  	[dreg:$0x2] =	wrdreg s25  }
0x27: {  	[dreg:$0x3] =	wrdreg s2  }
0x28: {  	[dreg:$0x4] =	wrdreg $0x9  }
0x29: {  	_ =	task.clear_ibuf [dreg:s7], $0x5FFFF;
	_ =	strace $0x90000049  }
0x2a: {  	s29 =	simm.s32 $0x9;
	_ =	strace $0x8000004B  }
0x2b: {  	_ =	swait.ge [sflag:s29], $0x1  }
0x2c: {  	[sflag:s29] =	ssyncadd.s32 $0xFFFFFFFF  }
0x2d: {  	_ =	strace $0x9000004B  }
0x2e: {  	_ =	sfence  }
0x2f: {  	s30 =	sld [smem:$0x0];
	_ =	sdelay $0x2  }
0x30: {  	s31 =	sshll.u32 s1, $0xD;
	s1 =	sshrl.u32 s1, $0x2  }
0x31: {  	s3 =	sand.u32 $0x4000, s31;
	s1 =	sadd.s32 s1, s30  }
0x32: {  	s0 =	sor.u32 s3, s0;
	s1 =	sshll.u32 s1, $0x11  }
0x33: {  	s0 =	sor.u32 s1, s0  }
0x34: {  	s0 =	sadd.s32 $0x8F2B, s0  }
0x35: {  	[sflag:s0] =	ssyncadd.remote.s32 $0x1  }
0x36: {  	_ =	sfence.sel $0xFFFF  }
0x37: {  	[dreg:$0x0] =	wrdreg $0xFFFFFFFF;
	(pc) =	sbr.abs _section_cstart, $3  }
0x38: {  	[dreg:$0x1] =	wrdreg $0xFFFFFFFF  }
0x39: {  	_ =	task.clear_ibuf [dreg:s7], $0x2FFFF;
	_ =	strace $0x9FFFFFFF  }
0x3a: {  	(tm) =	ssettm $0x7FFFFFFF  }
0x3b: {  	_ =	shalt  }
tec
execute0_lowered:
.L_overlay_start_1:
0x0: {  	(tag) =	ssettag $0x1  }
0x1: {  	s1 =	rddreg [dreg:$0x0]  }
0x2: {  	s2 =	rddreg [dreg:$0x1]  }
0x3: {  	s0 =	rddreg [dreg:$0x2];
	_ =	strace $0x8000004A;
	s4 =	srdreg.scid  }
0x4: {  	s6 =	simm.s32 $0x2;
	s14 =	simm.s32 $0x0;
	p0 =	por $0x0, $0x0  }
0x5: {  	s13 =	simm.s32 $0x0;
	s15 =	simm.s32 $0x0;
	s8 =	simm.s32 $0x0  }
.Ltmp0:
0x6: {  	s9 =	simm.s32 $0x0;
	s10 =	simm.s32 $0x0;
	(pc) =	sbr.rel .LBB1_1-.Ltmp0, $4  }
0x7: {  	s11 =	simm.s32 $0x0;
	s3 =	sadd.s32 $0x800, s1;
	s5 =	sshll.u32 s4, $0x4  }
0x8: {  	s1 =	stileid.u32;
	s4 =	simm.s32 $0x1;
	s5 =	sand.u32 $0x10, s5  }
0x9: {  	s7 =	simm.s32 $0x0;
	[sflag:s4] =	ssyncpa.u1 $0x0;
	s5 =	sor.u32 s1, s5  }
0xa: {  	[sflag:s6] =	ssyncpa.u1 $0x0;
	s6 =	simm.s32 $0x0;
	s12 =	smov.u32 s5  }
.LBB1_5:
0xb: {  	p1 =	slt.u32 s7, $0x2  }
0xc: {  	p2 =	sgt.s32 @!p1 s15, $0xFFF  }
0xd: {  	s16 =	smov.u32 s15;
	s17 =	sshra.s32 @!p1 s15, $0x1F;
	p2 =	por !p2, p1  }
0xe: {  	s15 =	sand.u32 @!p1 s17, s15;
	s16 =	simm.s32 @p2 $0xFFF  }
0xf: {  	p3 =	sgt.s32 @!p1 s14, $0x48;
	s15 =	ssub.s32 @!p1 s16, s15  }
0x10: {  	p3 =	por !p3, p1;
	s17 =	smov.u32 s14;
	s16 =	sadd.s32 @!p1 $0xFFFFF001, s15  }
0x11: {  	s15 =	ssub.s32 @!p1 $0x1000, s15;
	p2 =	sgt.s32 @!p1 s16, $0x0;
	s16 =	sshra.s32 @!p1 s14, $0x1F  }
0x12: {  	s14 =	sand.u32 @!p1 s16, s14;
	s16 =	ssub.s32 @!p1 $0x0, s13;
	p2 =	por !p2, p1  }
0x13: {  	s17 =	simm.s32 @p3 $0x48;
	s13 =	smin.u32 @!p1 s13, s16;
	s15 =	simm.s32 @!p2 $0x0  }
0x14: {  	s14 =	ssub.s32 @!p1 s17, s14;
	s17 =	smov.u32 s11;
	p2 =	sgt.s32 @!p1 s13, $0x7F  }
0x15: {  	s16 =	sadd.s32 @!p1 $0xFFFFFFB8, s14;
	s13 =	ssub.s32 @!p1 $0x80, s13;
	p2 =	por !p2, p1  }
0x16: {  	s14 =	ssub.s32 @!p1 $0xC8, s14;
	p3 =	sgt.s32 @!p1 s16, $0x7F;
	s13 =	simm.s32 @!p2 $0x0  }
0x17: {  	s16 =	sadd.s32 $0x80, s10;
	p2 =	por !p3, p1;
	s13 =	smul.u32 @!p1 s15, s13  }
0x18: {  	s14 =	simm.s32 @!p2 $0x0;
	p2 =	sgt.s32 s16, $0xC7;
	s15 =	sadd.s32 $0x80, s11  }
0x19: {  	s18 =	smov.u32 s12;
	s17 =	smov.u32 @p2 s15  }
0x1a: {  	s13 =	smul.u32 @!p1 s14, s13;
	p3 =	sgt.s32 s17, $0x7F;
	s14 =	sadd.s32 $0x20, s12  }
0x1b: {  	s7 =	sadd.s32 $0x1, s7;
	p0 =	por !p0, !p0;
	s18 =	smov.u32 @p3 s14  }
0x1c: {  	s19 =	simm.s32 @!p1 $0x2;
	s16 =	simm.s32 @p2 $0x0;
	p2 =	sgt.s32 s18, $0xFFF  }
0x1d: {  	s15 =	smov.u32 s9;
	s18 =	smov.u32 @p2 s5;
	p2 =	sne.s32 s7, $0x102  }
.Ltmp1:
0x1e: {  	s9 =	smov.u32 s12;
	s17 =	simm.s32 @p3 $0x0;
	(pc) =	sbr.rel @!p2 .LBB1_6-.Ltmp1, $4  }
0x1f: {  	s14 =	smov.u32 s6;
	s6 =	smov.u32 s10;
	s13 =	sand.u32 @!p1 $0x3FFFFFFF, s13  }
0x20: {  	s10 =	smov.u32 s16;
	_ =	swait.ge @!p1 [sflag:s19], s13;
	s20 =	ssub.s32 @!p1 $0x0, s13  }
0x21: {  	s13 =	smov.u32 s8;
	s8 =	smov.u32 s11;
	[sflag:s19] =	ssyncset.done @!p1 $0x0  }
0x22: {  	s11 =	smov.u32 s17;
	s12 =	smov.u32 s18;
	[sflag:s19] =	ssyncadd.s32 @!p1 s20  }
.LBB1_1:
0x23: {  	p1 =	sgt.u32 s7, $0xFF  }
0x24: {  	s16 =	sxor.u32 @!p1 $0xFFFFFFFF, s7  }
0x25: {  	s17 =	sshll.u32 @!p1 s11, $0x8;
	s18 =	sshll.u32 @!p1 s10, $0x3;
	s19 =	sshll.u32 @!p1 s11, $0x7  }
0x26: {  	s20 =	sand.u32 @!p1 $0x78, s10;
	s17 =	sand.u32 @!p1 $0x7800, s17;
	s18 =	sand.u32 @!p1 $0x7C00, s18  }
0x27: {  	s16 =	sshll.u32 @!p1 s16, $0xE;
	s17 =	sadd.s32 @!p1 s17, s18;
	s18 =	sand.u32 @!p1 $0x300, s19  }
0x28: {  	s16 =	sand.u32 @!p1 $0x4000, s16;
	s17 =	sor.u32 @!p1 s18, s17;
	s18 =	sand.u32 @!p1 $0x80, s19  }
0x29: {  	s19 =	sshll.u32 @!p1 s12, $0xC;
	s18 =	sor.u32 @!p1 s20, s18;
	s17 =	sshrl.u32 @!p1 s17, $0x3  }
0x2a: {  	s19 =	sadd.s32 @!p1 s3, s19;
	s20 =	sand.u32 @!p1 $0x7, s10;
	s18 =	sshrl.u32 @!p1 s18, $0x3  }
0x2b: {  	s17 =	sand.u32 @!p1 $0xFE0, s17;
	s18 =	sadd.s32 @!p1 s18, s19;
	s19 =	sshll.u32 @!p1 s20, $0x12  }
0x2c: {  	s17 =	sadd.s32 @!p1 s17, s18;
	s18 =	sor.u32 @!p1 $0x400, s19;
	s19 =	simm.s32 @!p1 $0x800  }
0x2d: {  	[tilespmem:s16], [sflag:$0x1] =	stream.strided.gather @!p1 [hbm4b:s17+s18], $0x4000, s19, s18, $0x38;
	[tilespmem:$0x10100] =	vst v63  }
0x2e: {  	p1 =	seq.s32 s7, $0x0  }
0x2f: {  	p2 =	seq.s32 @!p1 s7, $0x101  }
0x30: {  	p1 =	por p1, p2  }
.Ltmp2:
0x31: {  	_ = 	snop;
	(pc) =	sbr.rel @p1 .LBB1_5-.Ltmp2, $1  }
0x32: {  	_ =	sdelay $0x3  }
0x33: {  	s16 =	simm.s32 $0x1  }
0x34: {  	_ =	swait.ge [sflag:s4], $0x4000;
	s16 =	simm.s32 @!p0 $0x0  }
0x35: {  	[sflag:s4] =	ssyncset.done $0x0;
	s17 =	sshll.u32 s16, $0xE  }
0x36: {  	[sflag:s4] =	ssyncadd.s32 $0xFFFFC000;
	s17 =	sor.u32 $0x40, s17  }
0x37: {  	s16 =	smul.u32 $0x10200, s16;
	v0 =	vld [tilespmem:s17+$0x30]  }
0x38: {  	v1 =	vld [tilespmem:s17+$0xFFFFFFD0]  }
0x39: {  	s16 =	sshrl.u32 s16, $0x2;
	v5 =	vld [tilespmem:s17+$0xFFFFFFE0]  }
0x3a: {  	v6 =	vld [tilespmem:s17+$0xFFFFFFF0];
	s19 =	sor.u32 $0x8000, s16  }
0x3b: {  	s31 =	sand.u32 $0x1, s7;
	v4 =	vld [tilespmem:s17+$0x0];
	s18 =	sadd.s32 $0x0, s19  }
0x3c: {  	v3 =	vld [tilespmem:s17+$0x10];
	s16 =	smul.u32 $0x10200, s31;
	[tilespmem:s18+$0x3870 ss:$0x81] =	vst.msk $0xffff, v0  }
0x3d: {  	v2 =	vld [tilespmem:s17+$0x20];
	[tilespmem:s18+$0x810 ss:$0x81] =	vst.msk $0xffff, v1  }
0x3e: {  	s16 =	sshrl.u32 s16, $0x2;
	v0 =	vld [tilespmem:s17+$0xFFFFFFC0];
	[tilespmem:s18+$0x1020 ss:$0x81] =	vst.msk $0xffff, v5;
	s17 =	sadd.s32 $0x80, s17  }
0x3f: {  	s20 =	simm.s32 $0x4;
	s21 =	simm.s32 $0x8;
	s16 =	sor.u32 $0x8000, s16;
	[tilespmem:s18+$0x1830 ss:$0x81] =	vst.msk $0xffff, v6;
	v1 =	vld [tilespmem:s17+$0x30]  }
.LBB1_3:
0x40: {  	p1 =	sne.s32 s21, $0x1FC;
	v5 =	vld [tilespmem:s17+$0xFFFFFFD0];
	[tilespmem:s18+$0x2040 ss:$0x81] =	vst.msk $0xffff, v4  }
0x41: {  	v6 =	vld [tilespmem:s17+$0xFFFFFFE0];
	[tilespmem:s18+$0x2850 ss:$0x81] =	vst.msk $0xffff, v3  }
0x42: {  	s22 =	sshra.s32 s20, $0x2;
	s20 =	smov.u32 s21;
	v7 =	vld [tilespmem:s17+$0xFFFFFFF0];
	[tilespmem:s18+$0x3060 ss:$0x81] =	vst.msk $0xffff, v2  }
.Ltmp3:
0x43: {  	v4 =	vld [tilespmem:s17+$0x0];
	[tilespmem:s18+$0x0 ss:$0x81] =	vst.msk $0xffff, v0;
	s18 =	sadd.s32 s22, s19;
	(pc) =	sbr.rel @p1 .LBB1_3-.Ltmp3, $4  }
0x44: {  	v3 =	vld [tilespmem:s17+$0x10];
	[tilespmem:s18+$0x3870 ss:$0x81] =	vst.msk $0xffff, v1  }
0x45: {  	[tilespmem:s18+$0x810 ss:$0x81] =	vst.msk $0xffff, v5;
	v2 =	vld [tilespmem:s17+$0x20]  }
0x46: {  	v0 =	vld [tilespmem:s17+$0xFFFFFFC0];
	[tilespmem:s18+$0x1020 ss:$0x81] =	vst.msk $0xffff, v6;
	s17 =	sadd.s32 $0x80, s17  }
0x47: {  	s21 =	sadd.s32 $0x4, s21;
	v1 =	vld [tilespmem:s17+$0x30];
	[tilespmem:s18+$0x1830 ss:$0x81] =	vst.msk $0xffff, v7  }
0x48: {  	s21 =	sshll.u32 s6, $0x7;
	s22 =	sshll.u32 s8, $0x3;
	p1 =	sgt.s32 s9, $0xFFF  }
0x49: {  	s24 =	sshra.s32 s9, $0x1F;
	s20 =	sshra.s32 s20, $0x2;
	s30 =	ssub.s32 $0x0, s8  }
0x4a: {  	s31 =	sshra.s32 s6, $0x1F;
	s23 =	sand.u32 $0xFFFFFC00, s21;
	s22 =	sand.u32 $0xFFFFFC00, s22  }
0x4b: {  	[tilespmem:s18+$0x2040 ss:$0x81] =	vst.msk $0xffff, v4;
	s21 =	sand.u32 $0x380, s21;
	s22 =	sadd.s32 s22, s23;
	s23 =	smov.u32 s9  }
0x4c: {  	s24 =	sand.u32 s24, s9;
	s19 =	sadd.s32 s20, s19;
	[tilespmem:s18+$0x2850 ss:$0x81] =	vst.msk $0xffff, v3;
	s23 =	simm.s32 @!p1 $0xFFF  }
0x4d: {  	v5 =	vld [tilespmem:s17+$0xFFFFFFD0];
	[tilespmem:s18+$0x3060 ss:$0x81] =	vst.msk $0xffff, v2;
	s21 =	sor.u32 s21, s22;
	s22 =	smov.u32 s6;
	s27 =	ssub.s32 s23, s24  }
0x4e: {  	v58 =	vld [tilespmem:s17+$0xFFFFFFE0];
	[tilespmem:s18+$0x0 ss:$0x81] =	vst.msk $0xffff, v0;
	s18 =	sand.u32 s31, s6;
	s20 =	sshrl.u32 s21, $0x7;
	s28 =	sadd.s32 $0xFFFFF001, s27  }
0x4f: {  	v59 =	vld [tilespmem:s17+$0xFFFFFFF0];
	s29 =	smulhi.u32 $0x147AE15, s20;
	s21 =	ssub.s32 $0x1000, s27;
	p1 =	sgt.s32 s28, $0x0  }
0x50: {  	v60 =	vld [tilespmem:s17+$0x0];
	s28 =	smul.u32 $0xC80, s9;
	s21 =	simm.s32 @p1 $0x0;
	p1 =	sgt.s32 s6, $0x48  }
0x51: {  	v61 =	vld [tilespmem:s17+$0x10];
	s24 =	smin.u32 s8, s30;
	[tilespmem:s19+$0x3870 ss:$0x81] =	vst.msk $0xffff, v1;
	s25 =	smul.u32 $0xC8, s29;
	s22 =	simm.s32 @!p1 $0x48  }
0x52: {  	v62 =	vld [tilespmem:s17+$0x20];
	[tilespmem:s19+$0x810 ss:$0x81] =	vst.msk $0xffff, v5;
	p1 =	sgt.s32 s24, $0x7F;
	s24 =	ssub.s32 $0x80, s24;
	s18 =	ssub.s32 s22, s18  }
0x53: {  	v63 =	vld [tilespmem:s17+$0xFFFFFFC0];
	[tilespmem:s19+$0x1020 ss:$0x81] =	vst.msk $0xffff, v58;
	s29 =	sshrl.u32 s8, $0x3;
	s24 =	simm.s32 @p1 $0x0;
	s27 =	sadd.s32 $0xFFFFFFB8, s18  }
0x54: {  	[tilespmem:s19+$0x1830 ss:$0x81] =	vst.msk $0xffff, v59;
	s26 =	smul.u32 s21, s24;
	s18 =	ssub.s32 $0xC8, s18;
	p1 =	sgt.s32 s27, $0x7F  }
.Ltmp4:
0x55: {  	[tilespmem:s19+$0x2040 ss:$0x81] =	vst.msk $0xffff, v60;
	s30 =	sand.u32 $0xF, s29;
	s18 =	simm.s32 @p1 $0x0;
	(pc) =	sbr.rel .LBB1_5-.Ltmp4, $4  }
0x56: {  	[tilespmem:s19+$0x2850 ss:$0x81] =	vst.msk $0xffff, v61;
	s20 =	ssub.s32 s20, s25;
	s21 =	sadd.s32 s2, s28;
	s17 =	smul.u32 s18, s26  }
0x57: {  	[tilespmem:s19+$0x3060 ss:$0x81] =	vst.msk $0xffff, v62;
	s20 =	sshll.u32 s20, $0x4;
	s18 =	sadd.s32 s30, s21  }
0x58: {  	s31 =	sand.u32 $0x7, s8;
	[tilespmem:s19+$0x0 ss:$0x81] =	vst.msk $0xffff, v63;
	s18 =	sadd.s32 s20, s18;
	s17 =	sand.u32 $0x3FFFFFFF, s17  }
0x59: {  	[hbm4b:s18+s31] =	stream.linear.scatter [tilespmem:s16], [sflag:$0x2], s17, $0x20;
	[tilespmem:$0x10100] =	vst v63  }
.LBB1_6:
0x5a: {  	_ =	sfence.sel $0x180000  }
0x5b: {  	s2 =	simm.s32 $0x1;
	[bflag:$0x0] =	sbarrier.arrive $0xFFFF  }
0x5c: {  	s31 =	simm.s32 $0x2;
	[sflag:s2] =	ssyncpa.u1 $0x1  }
0x5d: {  	[sflag:s31] =	ssyncpa.u1 $0x1  }
0x5e: {  	p0 =	sne.s32 s1, $0x0;
	_ =	strace $0x9000004A  }
0x5f: {  	s0 =	sadd.s32 @!p0 $0x100000, s0;
	[bflag:$0x2] =	sbarrier.arrive $0xFFFF  }
0x60: {  	[sflag:s0] =	ssyncadd.tile.s32 @!p0 $0x1;
	_ =	shalt  }
.Lfunc_end1:
_tile_overlayer_lowered:
.L_overlay_start_2:
0x61: {  	(tag) =	ssettag $0x2  }
0x62: {  	s0 =	rddreg [dreg:$0x0];
	s2 =	stileid.u32  }
0x63: {  	s1 =	rddreg [dreg:$0x1];
	p0 =	sne.s32 s2, $0x0  }
0x64: {  	s3 =	rddreg [dreg:$0x2];
	[bflag:$0x3] =	sbarrier.arrive $0xFFFF;
	s2 =	simm.s32 @!p0 $0x1C01  }
0x65: {  	[timem:s3], [sflag:s2] =	dma.local @!p0 [hbm:s0], s1  }
0x66: {  	s0 =	simm.s32 @!p0 $0x1  }
0x67: {  	_ =	swait.ge @!p0 [sflag:s0], s1  }
0x68: {  	s1 =	ssub.s32 @!p0 $0x0, s1;
	[sflag:s0] =	ssyncset.done @!p0 $0x0  }
0x69: {  	[sflag:s0] =	ssyncadd.s32 @!p0 s1  }
0x6a: {  	[bflag:$0x3] =	sbarrier.arrive $0xFFFF  }
0x6b: {  	_ =	shalt  }

</sc_bundles>
